<compile_context>
chip_gen: v7x
topology: tpu7x:2x2x1
jax: 0.10.2.dev20260603
libtpu: 0.0.44.dev20260713+nightly
codegen_flags: <defaults>
</compile_context>

<pallas_src>
import functools

import jax
import jax.numpy as jnp
from jax import lax
from jax.experimental import pallas as pl
from jax.experimental.pallas import tpu as pltpu
from jax.experimental.pallas import tpu_sc as plsc

MEM = 16384
DC = 512
DM = 1024
NTOK = 128
ROWS = 4096
RBLK = 512
NRED = ROWS // RBLK


def _reduce_body(x_ref, sum_ref):
    @pl.when(pl.program_id(0) == 0)
    def _():
        sum_ref[...] = jnp.zeros_like(sum_ref)

    sum_ref[...] += jnp.sum(x_ref[...], axis=0, keepdims=True)


_reduce_call = pl.pallas_call(
    _reduce_body,
    grid=(NRED,),
    in_specs=[pl.BlockSpec((RBLK, DM), lambda i: (i, 0))],
    out_specs=pl.BlockSpec((1, DM), lambda i: (0, 0)),
    out_shape=jax.ShapeDtypeStruct((1, DM), jnp.float32),
)


def _select_body(i_ref, age_ref, top_ref):
    i_valf = i_ref[0, 0].astype(jnp.float32)
    ridx = lax.broadcasted_iota(jnp.int32, (128, 128), 0)
    cidx = lax.broadcasted_iota(jnp.int32, (128, 128), 1)
    idxf = (ridx * 128 + cidx).astype(jnp.float32)
    big = jnp.float32(1e30)
    a0 = jnp.where(idxf == i_valf, 0.0, age_ref[...] + 1.0)
    lane = lax.broadcasted_iota(jnp.int32, (1, 128), 1)

    def body(p, carry):
        a, out = carry
        v, i = a, idxf
        for h in (64, 32, 16, 8):
            tv, ti = v[h:], i[h:]
            v, i = v[:h], i[:h]
            take = (tv < v) | ((tv == v) & (ti < i))
            v = jnp.where(take, tv, v)
            i = jnp.where(take, ti, i)
        gmin = jnp.min(v)
        gidx = jnp.min(jnp.where(v == gmin, i, big))
        out = out + gidx * (lane == p).astype(jnp.float32)
        a = jnp.where(idxf == gidx, big, a)
        return a, out

    _, out = lax.fori_loop(
        0, NTOK, body, (a0, jnp.zeros((1, 128), jnp.float32))
    )
    top_ref[...] = out.astype(jnp.int32)


_select_call = pl.pallas_call(
    _select_body,
    in_specs=[
        pl.BlockSpec(memory_space=pltpu.SMEM),
        pl.BlockSpec((128, 128), lambda: (0, 0)),
    ],
    out_specs=pl.BlockSpec((1, 128), lambda: (0, 0)),
    out_shape=jax.ShapeDtypeStruct((1, 128), jnp.int32),
)

_GW = 16
_GR = NTOK // _GW


@functools.cache
def _make_gather():
    mesh = plsc.VectorSubcoreMesh(core_axis_name="c", subcore_axis_name="s")

    @functools.partial(
        pl.kernel,
        mesh=mesh,
        out_type=jax.ShapeDtypeStruct((NTOK, DC), jnp.float32),
        scratch_types=[
            pltpu.VMEM((_GR,), jnp.int32),
            pltpu.VMEM((_GR, DC), jnp.float32),
            pltpu.SemaphoreType.DMA,
        ],
    )
    def gather_k(vals_hbm, idx_hbm, out_hbm, idx_v, rows_v, sem):
        wid = lax.axis_index("s") * 2 + lax.axis_index("c")

        @pl.when(wid < _GW)
        def _():
            base = wid * _GR
            pltpu.sync_copy(idx_hbm.at[pl.ds(base, _GR)], idx_v)
            pltpu.async_copy(vals_hbm.at[idx_v], rows_v, sem).wait()
            pltpu.sync_copy(rows_v, out_hbm.at[pl.ds(base, _GR)])

    return gather_k


def _tail_body(sum_ref, wval_ref, g_ref, wtok_ref, out_ref):
    v_new = (sum_ref[...] * (1.0 / ROWS)) @ wval_ref[...]
    rsel = lax.broadcasted_iota(jnp.int32, (NTOK, 1), 0) == 0
    rows = jnp.where(rsel, v_new, g_ref[...])
    toks = rows @ wtok_ref[...]
    out_ref[0] = toks
    out_ref[1] = toks


_tail_call = pl.pallas_call(
    _tail_body,
    in_specs=[
        pl.BlockSpec((1, DM), lambda: (0, 0)),
        pl.BlockSpec((DM, DC), lambda: (0, 0)),
        pl.BlockSpec((NTOK, DC), lambda: (0, 0)),
        pl.BlockSpec((DC, DM), lambda: (0, 0)),
    ],
    out_specs=pl.BlockSpec((2, NTOK, DM), lambda: (0, 0, 0)),
    out_shape=jax.ShapeDtypeStruct((2, NTOK, DM), jnp.float32),
)


def kernel(k_tok, v_tok, keys, vals, age, W_key, W_val, W_tok, ptr, n_tokens):
    i = jnp.asarray(ptr % MEM, jnp.int32).reshape(1, 1)
    top = _select_call(i, age.reshape(128, 128))
    g = _make_gather()(vals, top.reshape(NTOK))
    sumv = _reduce_call(v_tok.reshape(ROWS, DM))
    return _tail_call(sumv, W_val, g, W_tok)

# --- scband reference (transcript-rebuilt; emitter-appended) ---
"""Pipeline reference for scband-ltmemory-33767032882004 (READ-ONLY COPY).

The authoritative reference and input builder live on the scoring server;
editing this copy changes nothing except your own understanding.
"""

import jax, jax.numpy as jnp
import numpy as np

MEM_SLOTS = 16384
D_MODEL = 1024
DC = 512

def setup_inputs(seed: int = 0) -> dict:
    key = jax.random.key(seed)
    ks = jax.random.split(key, 8)
    return {
        "k_tok": jax.random.normal(ks[0], (2, 2048, D_MODEL), dtype=jnp.float32),
        "v_tok": jax.random.normal(ks[1], (2, 2048, D_MODEL), dtype=jnp.float32),
        "keys": jax.random.normal(ks[2], (MEM_SLOTS, DC), dtype=jnp.float32),
        "vals": jax.random.normal(ks[3], (MEM_SLOTS, DC), dtype=jnp.float32),
        "age": jax.random.uniform(ks[4], (MEM_SLOTS,), dtype=jnp.float32, minval=0.0, maxval=100.0),
        "W_key": jax.random.normal(ks[5], (D_MODEL, DC), dtype=jnp.float32) / np.sqrt(D_MODEL),
        "W_val": jax.random.normal(ks[6], (D_MODEL, DC), dtype=jnp.float32) / np.sqrt(D_MODEL),
        "W_tok": jax.random.normal(ks[7], (DC, D_MODEL), dtype=jnp.float32) / np.sqrt(DC),
        "ptr": 16384,
        "n_tokens": 128,
    }

def reference(k_tok, v_tok, keys, vals, age, W_key, W_val, W_tok, ptr, n_tokens):
    # --- write(k_tok, v_tok): project, pool over (batch, seq), scatter into slot ptr % mem_slots ---
    k_new = jax.lax.stop_gradient(jnp.mean(k_tok @ W_key, axis=(0, 1)))  # [DC]
    v_new = jax.lax.stop_gradient(jnp.mean(v_tok @ W_val, axis=(0, 1)))  # [DC]
    i = ptr % MEM_SLOTS
    keys = keys.at[i].set(k_new)
    vals = vals.at[i].set(v_new)
    age = age + 1.0
    age = age.at[i].set(0.0)
    ptr = ptr + 1
    # --- read_tokens(B, n_tokens): top-k freshest slots, gather vals, project to token space ---
    B = k_tok.shape[0]
    kk = jnp.minimum(n_tokens, jnp.minimum(ptr, MEM_SLOTS))
    _, top = jax.lax.top_k(-age, 128)             # indices of kk smallest ages
    toks = jnp.take(vals, top, axis=0) @ W_tok    # [kk, d_model]
    toks = toks * (kk // kk).astype(toks.dtype)
    toks = jnp.broadcast_to(toks[None, :, :], (B, 128, W_tok.shape[1]))
    return toks

if __name__ == "__main__":
    import jax
    _d = setup_inputs()
    print(jax.jit(kernel)(*tuple(_d.values())))

</pallas_src>

<mosaic_0001>
#map = affine_map<(d0, d1) -> (0, 0)>
#map1 = affine_map<(d0, d1) -> (0)>
module attributes {stable_mosaic.version = 14 : i64} {
  func.func @gather_k(%arg0: i32, %arg1: i32, %arg2: memref<16384x512xf32, #tpu.memory_space<hbm>>, %arg3: memref<128xi32, #tpu.memory_space<hbm>>, %arg4: memref<128x512xf32, #tpu.memory_space<hbm>>, %arg5: memref<8xi32, #tpu.memory_space<vmem>>, %arg6: memref<8x512xf32, #tpu.memory_space<vmem>>, %arg7: memref<!tpu.dma_semaphore, #tpu.memory_space<semaphore_mem>>) attributes {dimension_semantics = [#tpu.dimension_semantics<core_parallel>, #tpu.dimension_semantics<subcore_parallel>], iteration_bounds = array<i64: 2, 16>, scalar_prefetch = 0 : i64, scratch_operands = 3 : i64, tpu.core_type = #tpu.core_type<sc_vector_subcore>, window_params = [{transform_indices = #map}, {transform_indices = #map1}, {transform_indices = #map}]} {
    %mul3A = arith.constant 2 : i32
    %mul3A_0 = arith.muli %arg1, %mul3A : i32
    %add3A = arith.addi %mul3A_0, %arg0 : i32
    %lt3A = arith.constant 16 : i32
    %lt3A_1 = arith.cmpi slt, %add3A, %lt3A : i32
    %convert_element_type3A = arith.extui %lt3A_1 : i1 to i32
    %cond3A = arith.constant 0 : i32
    %cond3A_2 = arith.cmpi ne, %convert_element_type3A, %cond3A : i32
    scf.if %cond3A_2 {
      %mul3A_3 = arith.constant 8 : i32
      %mul3A_4 = arith.muli %add3A, %mul3A_3 : i32
      "tpu.region"() ({
        %run_scoped3A = tpu.sem_alloc : memref<!tpu.dma_semaphore, #tpu.memory_space<semaphore_mem>>
        %dma_start3A_9 = tpu.memref_slice %arg3[%mul3A_4] : memref<128xi32, #tpu.memory_space<hbm>> -> memref<8xi32, #tpu.memory_space<hbm>>
        %dma_start3A_10 = tpu.memref_slice %arg3[%mul3A_4] : memref<128xi32, #tpu.memory_space<hbm>> -> memref<8xi32, #tpu.memory_space<hbm>>
        tpu.enqueue_dma source(%dma_start3A_10 : memref<8xi32, #tpu.memory_space<hbm>>) target(%arg5 : memref<8xi32, #tpu.memory_space<vmem>>) target_semaphore(%run_scoped3A : memref<!tpu.dma_semaphore, #tpu.memory_space<semaphore_mem>>)
        %dma_wait3A_11 = tpu.memref_slice %arg3[%mul3A_4] : memref<128xi32, #tpu.memory_space<hbm>> -> memref<8xi32, #tpu.memory_space<hbm>>
        %dma_wait3A_12 = tpu.memref_slice %arg3[%mul3A_4] : memref<128xi32, #tpu.memory_space<hbm>> -> memref<8xi32, #tpu.memory_space<hbm>>
        tpu.wait_dma2 semaphore(%run_scoped3A : memref<!tpu.dma_semaphore, #tpu.memory_space<semaphore_mem>>) src(%dma_wait3A_12 : memref<8xi32, #tpu.memory_space<hbm>>) dst(%arg5 : memref<8xi32, #tpu.memory_space<vmem>>)
        tpu.yield
      }) : () -> ()
      %dma_start3A = arith.constant 0 : i32
      %dma_start3A_5 = arith.constant 0 : i32
      %dma_start3A_6 = tpu.memref_slice %arg2[%dma_start3A, %dma_start3A_5] : memref<16384x512xf32, #tpu.memory_space<hbm>> -> memref<16384x512xf32, #tpu.memory_space<hbm>>
      tpu.enqueue_indirect_dma source(%dma_start3A_6 : memref<16384x512xf32, #tpu.memory_space<hbm>>) target(%arg6 : memref<8x512xf32, #tpu.memory_space<vmem>>) offsets(%arg5 : memref<8xi32, #tpu.memory_space<vmem>>) semaphore(%arg7 : memref<!tpu.dma_semaphore, #tpu.memory_space<semaphore_mem>>)
      %dma_wait3A = arith.constant 0 : i32
      %dma_wait3A_7 = arith.constant 0 : i32
      %dma_wait3A_8 = tpu.memref_slice %arg2[%dma_wait3A, %dma_wait3A_7] : memref<16384x512xf32, #tpu.memory_space<hbm>> -> memref<16384x512xf32, #tpu.memory_space<hbm>>
      tpu.wait_indirect_dma semaphore(%arg7 : memref<!tpu.dma_semaphore, #tpu.memory_space<semaphore_mem>>) src(%dma_wait3A_8 : memref<16384x512xf32, #tpu.memory_space<hbm>>) dst(%arg6 : memref<8x512xf32, #tpu.memory_space<vmem>>)
      "tpu.region"() ({
        %run_scoped3A = tpu.sem_alloc : memref<!tpu.dma_semaphore, #tpu.memory_space<semaphore_mem>>
        %dma_start3A_9 = arith.constant 0 : i32
        %dma_start3A_10 = tpu.memref_slice %arg4[%mul3A_4, %dma_start3A_9] : memref<128x512xf32, #tpu.memory_space<hbm>> -> memref<8x512xf32, #tpu.memory_space<hbm>>
        %dma_start3A_11 = arith.constant 0 : i32
        %dma_start3A_12 = tpu.memref_slice %arg4[%mul3A_4, %dma_start3A_11] : memref<128x512xf32, #tpu.memory_space<hbm>> -> memref<8x512xf32, #tpu.memory_space<hbm>>
        tpu.enqueue_dma source(%arg6 : memref<8x512xf32, #tpu.memory_space<vmem>>) target(%dma_start3A_12 : memref<8x512xf32, #tpu.memory_space<hbm>>) target_semaphore(%run_scoped3A : memref<!tpu.dma_semaphore, #tpu.memory_space<semaphore_mem>>)
        %dma_wait3A_13 = arith.constant 0 : i32
        %dma_wait3A_14 = tpu.memref_slice %arg4[%mul3A_4, %dma_wait3A_13] : memref<128x512xf32, #tpu.memory_space<hbm>> -> memref<8x512xf32, #tpu.memory_space<hbm>>
        %dma_wait3A_15 = arith.constant 0 : i32
        %dma_wait3A_16 = tpu.memref_slice %arg4[%mul3A_4, %dma_wait3A_15] : memref<128x512xf32, #tpu.memory_space<hbm>> -> memref<8x512xf32, #tpu.memory_space<hbm>>
        tpu.wait_dma2 semaphore(%run_scoped3A : memref<!tpu.dma_semaphore, #tpu.memory_space<semaphore_mem>>) src(%arg6 : memref<8x512xf32, #tpu.memory_space<vmem>>) dst(%dma_wait3A_16 : memref<8x512xf32, #tpu.memory_space<hbm>>)
        tpu.yield
      }) : () -> ()
    } else {
    }
    return
  }
}

module attributes {stable_mosaic.version = 14 : i64} {
  func.func @_select_body(%arg0: memref<1x1xi32, #tpu.memory_space<smem>>, %arg1: memref<128x128xf32, #tpu.memory_space<vmem>>, %arg2: memref<1x128xi32, #tpu.memory_space<vmem>>) attributes {dimension_semantics = [], scalar_prefetch = 0 : i64, scratch_operands = 0 : i64, tpu.core_type = #tpu.core_type<tc>} {
    %get3A = arith.constant 0 : index
    %get3A_0 = arith.constant 0 : index
    %get3A_1 = memref.load %arg0[%get3A, %get3A_0] : memref<1x1xi32, #tpu.memory_space<smem>>
    %convert_element_type3A = arith.sitofp %get3A_1 : i32 to f32
    %iota3A = tpu.iota {dimensions = array<i32: 0>} : vector<128x128xi32>
    %iota3A_2 = tpu.iota {dimensions = array<i32: 1>} : vector<128x128xi32>
    %mul3A = arith.constant 128 : i32
    %mul3A_3 = vector.broadcast %mul3A : i32 to vector<128x128xi32>
    %mul3A_4 = arith.muli %iota3A, %mul3A_3 : vector<128x128xi32>
    %add3A = arith.addi %mul3A_4, %iota3A_2 : vector<128x128xi32>
    %convert_element_type3A_5 = arith.sitofp %add3A : vector<128x128xi32> to vector<128x128xf32>
    %eq3A = vector.broadcast %convert_element_type3A : f32 to vector<128x128xf32>
    %eq3A_6 = arith.cmpf oeq, %convert_element_type3A_5, %eq3A : vector<128x128xf32>
    %get3A_7 = arith.constant 0 : index
    %get3A_8 = arith.constant 0 : index
    %get3A_9 = vector.load %arg1[%get3A_7, %get3A_8] : memref<128x128xf32, #tpu.memory_space<vmem>>, vector<128x128xf32>
    %add3A_10 = arith.constant 1.000000e+00 : f32
    %add3A_11 = vector.broadcast %add3A_10 : f32 to vector<128x128xf32>
    %add3A_12 = arith.addf %get3A_9, %add3A_11 : vector<128x128xf32>
    %jit3A = arith.constant 0.000000e+00 : f32
    %broadcast_in_dim3A = vector.broadcast %jit3A : f32 to vector<128x128xf32>
    %select_n3A = arith.select %eq3A_6, %broadcast_in_dim3A, %add3A_12 : vector<128x128xi1>, vector<128x128xf32>
    %iota3A_13 = tpu.iota {dimensions = array<i32: 1>} : vector<1x128xi32>
    %broadcast_in_dim3A_14 = arith.constant 0.000000e+00 : f32
    %broadcast_in_dim3A_15 = vector.broadcast %broadcast_in_dim3A_14 : f32 to vector<1x128xf32>
    %scan3A = arith.constant 1.000000e+30 : f32
    %scan3A_16 = arith.constant 0 : i32
    %scan3A_17 = arith.constant 128 : i32
    %scan3A_18 = arith.addi %scan3A_16, %scan3A_17 : i32
    %scan3A_19 = arith.constant 1 : i32
    %scan3A_20:2 = scf.for %scan3A_25 = %scan3A_16 to %scan3A_18 step %scan3A_19 iter_args(%scan3A_26 = %select_n3A, %scan3A_27 = %broadcast_in_dim3A_15) -> (vector<128x128xf32>, vector<1x128xf32>)  : i32 {
      %slice3A = vector.extract_strided_slice %scan3A_26 {offsets = [64, 0], sizes = [64, 128], strides = [1, 1]} : vector<128x128xf32> to vector<64x128xf32>
      %slice3A_28 = vector.extract_strided_slice %convert_element_type3A_5 {offsets = [64, 0], sizes = [64, 128], strides = [1, 1]} : vector<128x128xf32> to vector<64x128xf32>
      %slice3A_29 = vector.extract_strided_slice %scan3A_26 {offsets = [0, 0], sizes = [64, 128], strides = [1, 1]} : vector<128x128xf32> to vector<64x128xf32>
      %slice3A_30 = vector.extract_strided_slice %convert_element_type3A_5 {offsets = [0, 0], sizes = [64, 128], strides = [1, 1]} : vector<128x128xf32> to vector<64x128xf32>
      %lt3A = arith.cmpf olt, %slice3A, %slice3A_29 : vector<64x128xf32>
      %eq3A_31 = arith.cmpf oeq, %slice3A, %slice3A_29 : vector<64x128xf32>
      %lt3A_32 = arith.cmpf olt, %slice3A_28, %slice3A_30 : vector<64x128xf32>
      %and3A = arith.andi %eq3A_31, %lt3A_32 : vector<64x128xi1>
      %or3A = arith.ori %lt3A, %and3A : vector<64x128xi1>
      %select_n3A_33 = arith.select %or3A, %slice3A, %slice3A_29 : vector<64x128xi1>, vector<64x128xf32>
      %select_n3A_34 = arith.select %or3A, %slice3A_28, %slice3A_30 : vector<64x128xi1>, vector<64x128xf32>
      %slice3A_35 = vector.extract_strided_slice %select_n3A_33 {offsets = [32, 0], sizes = [32, 128], strides = [1, 1]} : vector<64x128xf32> to vector<32x128xf32>
      %slice3A_36 = vector.extract_strided_slice %select_n3A_34 {offsets = [32, 0], sizes = [32, 128], strides = [1, 1]} : vector<64x128xf32> to vector<32x128xf32>
      %slice3A_37 = vector.extract_strided_slice %select_n3A_33 {offsets = [0, 0], sizes = [32, 128], strides = [1, 1]} : vector<64x128xf32> to vector<32x128xf32>
      %slice3A_38 = vector.extract_strided_slice %select_n3A_34 {offsets = [0, 0], sizes = [32, 128], strides = [1, 1]} : vector<64x128xf32> to vector<32x128xf32>
      %lt3A_39 = arith.cmpf olt, %slice3A_35, %slice3A_37 : vector<32x128xf32>
      %eq3A_40 = arith.cmpf oeq, %slice3A_35, %slice3A_37 : vector<32x128xf32>
      %lt3A_41 = arith.cmpf olt, %slice3A_36, %slice3A_38 : vector<32x128xf32>
      %and3A_42 = arith.andi %eq3A_40, %lt3A_41 : vector<32x128xi1>
      %or3A_43 = arith.ori %lt3A_39, %and3A_42 : vector<32x128xi1>
      %select_n3A_44 = arith.select %or3A_43, %slice3A_35, %slice3A_37 : vector<32x128xi1>, vector<32x128xf32>
      %select_n3A_45 = arith.select %or3A_43, %slice3A_36, %slice3A_38 : vector<32x128xi1>, vector<32x128xf32>
      %slice3A_46 = vector.extract_strided_slice %select_n3A_44 {offsets = [16, 0], sizes = [16, 128], strides = [1, 1]} : vector<32x128xf32> to vector<16x128xf32>
      %slice3A_47 = vector.extract_strided_slice %select_n3A_45 {offsets = [16, 0], sizes = [16, 128], strides = [1, 1]} : vector<32x128xf32> to vector<16x128xf32>
      %slice3A_48 = vector.extract_strided_slice %select_n3A_44 {offsets = [0, 0], sizes = [16, 128], strides = [1, 1]} : vector<32x128xf32> to vector<16x128xf32>
      %slice3A_49 = vector.extract_strided_slice %select_n3A_45 {offsets = [0, 0], sizes = [16, 128], strides = [1, 1]} : vector<32x128xf32> to vector<16x128xf32>
      %lt3A_50 = arith.cmpf olt, %slice3A_46, %slice3A_48 : vector<16x128xf32>
      %eq3A_51 = arith.cmpf oeq, %slice3A_46, %slice3A_48 : vector<16x128xf32>
      %lt3A_52 = arith.cmpf olt, %slice3A_47, %slice3A_49 : vector<16x128xf32>
      %and3A_53 = arith.andi %eq3A_51, %lt3A_52 : vector<16x128xi1>
      %or3A_54 = arith.ori %lt3A_50, %and3A_53 : vector<16x128xi1>
      %select_n3A_55 = arith.select %or3A_54, %slice3A_46, %slice3A_48 : vector<16x128xi1>, vector<16x128xf32>
      %select_n3A_56 = arith.select %or3A_54, %slice3A_47, %slice3A_49 : vector<16x128xi1>, vector<16x128xf32>
      %slice3A_57 = vector.extract_strided_slice %select_n3A_55 {offsets = [8, 0], sizes = [8, 128], strides = [1, 1]} : vector<16x128xf32> to vector<8x128xf32>
      %slice3A_58 = vector.extract_strided_slice %select_n3A_56 {offsets = [8, 0], sizes = [8, 128], strides = [1, 1]} : vector<16x128xf32> to vector<8x128xf32>
      %slice3A_59 = vector.extract_strided_slice %select_n3A_55 {offsets = [0, 0], sizes = [8, 128], strides = [1, 1]} : vector<16x128xf32> to vector<8x128xf32>
      %slice3A_60 = vector.extract_strided_slice %select_n3A_56 {offsets = [0, 0], sizes = [8, 128], strides = [1, 1]} : vector<16x128xf32> to vector<8x128xf32>
      %lt3A_61 = arith.cmpf olt, %slice3A_57, %slice3A_59 : vector<8x128xf32>
      %eq3A_62 = arith.cmpf oeq, %slice3A_57, %slice3A_59 : vector<8x128xf32>
      %lt3A_63 = arith.cmpf olt, %slice3A_58, %slice3A_60 : vector<8x128xf32>
      %and3A_64 = arith.andi %eq3A_62, %lt3A_63 : vector<8x128xi1>
      %or3A_65 = arith.ori %lt3A_61, %and3A_64 : vector<8x128xi1>
      %select_n3A_66 = arith.select %or3A_65, %slice3A_57, %slice3A_59 : vector<8x128xi1>, vector<8x128xf32>
      %select_n3A_67 = arith.select %or3A_65, %slice3A_58, %slice3A_60 : vector<8x128xi1>, vector<8x128xf32>
      %reduce_min3A = vector.shape_cast %select_n3A_66 : vector<8x128xf32> to vector<1x8x128xf32>
      %reduce_min3A_68 = arith.constant dense<0x7F800000> : vector<1xf32>
      %reduce_min3A_69 = vector.multi_reduction <minimumf>, %reduce_min3A, %reduce_min3A_68 [1, 2] : vector<1x8x128xf32> to vector<1xf32>
      %reduce_min3A_70 = vector.shape_cast %reduce_min3A_69 : vector<1xf32> to vector<1x1x1xf32>
      %reduce_min3A_71 = vector.extract %reduce_min3A_70[0, 0, 0] : f32 from vector<1x1x1xf32>
      %eq3A_72 = vector.broadcast %reduce_min3A_71 : f32 to vector<8x128xf32>
      %eq3A_73 = arith.cmpf oeq, %select_n3A_66, %eq3A_72 : vector<8x128xf32>
      %broadcast_in_dim3A_74 = vector.broadcast %scan3A : f32 to vector<8x128xf32>
      %select_n3A_75 = arith.select %eq3A_73, %select_n3A_67, %broadcast_in_dim3A_74 : vector<8x128xi1>, vector<8x128xf32>
      %reduce_min3A_76 = vector.shape_cast %select_n3A_75 : vector<8x128xf32> to vector<1x8x128xf32>
      %reduce_min3A_77 = arith.constant dense<0x7F800000> : vector<1xf32>
      %reduce_min3A_78 = vector.multi_reduction <minimumf>, %reduce_min3A_76, %reduce_min3A_77 [1, 2] : vector<1x8x128xf32> to vector<1xf32>
      %reduce_min3A_79 = vector.shape_cast %reduce_min3A_78 : vector<1xf32> to vector<1x1x1xf32>
      %reduce_min3A_80 = vector.extract %reduce_min3A_79[0, 0, 0] : f32 from vector<1x1x1xf32>
      %eq3A_81 = vector.broadcast %scan3A_25 : i32 to vector<1x128xi32>
      %eq3A_82 = arith.cmpi eq, %iota3A_13, %eq3A_81 : vector<1x128xi32>
      %convert_element_type3A_83 = arith.extui %eq3A_82 : vector<1x128xi1> to vector<1x128xi32>
      %convert_element_type3A_84 = arith.sitofp %convert_element_type3A_83 : vector<1x128xi32> to vector<1x128xf32>
      %mul3A_85 = vector.broadcast %reduce_min3A_80 : f32 to vector<1x128xf32>
      %mul3A_86 = arith.mulf %mul3A_85, %convert_element_type3A_84 : vector<1x128xf32>
      %add3A_87 = arith.addf %scan3A_27, %mul3A_86 : vector<1x128xf32>
      %eq3A_88 = vector.broadcast %reduce_min3A_80 : f32 to vector<128x128xf32>
      %eq3A_89 = arith.cmpf oeq, %convert_element_type3A_5, %eq3A_88 : vector<128x128xf32>
      %broadcast_in_dim3A_90 = vector.broadcast %scan3A : f32 to vector<128x128xf32>
      %select_n3A_91 = arith.select %eq3A_89, %broadcast_in_dim3A_90, %scan3A_26 : vector<128x128xi1>, vector<128x128xf32>
      scf.yield %select_n3A_91, %add3A_87 : vector<128x128xf32>, vector<1x128xf32>
    }
    %scan3A_21 = arith.constant 128 : i32
    %convert_element_type3A_22 = arith.fptosi %scan3A_20#1 : vector<1x128xf32> to vector<1x128xi32>
    %swap3A = arith.constant 0 : index
    %swap3A_23 = arith.constant 0 : index
    %swap3A_24 = vector.load %arg2[%swap3A, %swap3A_23] : memref<1x128xi32, #tpu.memory_space<vmem>>, vector<1x128xi32>
    tpu.vector_store %arg2[%swap3A, %swap3A_23], %convert_element_type3A_22 {strides = array<i32>} : memref<1x128xi32, #tpu.memory_space<vmem>>, vector<1x128xi32>,
    return
  }
}

module attributes {stable_mosaic.version = 14 : i64} {
  func.func @_tail_body(%arg0: memref<1x1024xf32, #tpu.memory_space<vmem>>, %arg1: memref<1024x512xf32, #tpu.memory_space<vmem>>, %arg2: memref<128x512xf32, #tpu.memory_space<vmem>>, %arg3: memref<512x1024xf32, #tpu.memory_space<vmem>>, %arg4: memref<2x128x1024xf32, #tpu.memory_space<vmem>>) attributes {dimension_semantics = [], scalar_prefetch = 0 : i64, scratch_operands = 0 : i64, tpu.core_type = #tpu.core_type<tc>} {
    %get3A = arith.constant 0 : index
    %get3A_0 = arith.constant 0 : index
    %get3A_1 = vector.load %arg0[%get3A, %get3A_0] : memref<1x1024xf32, #tpu.memory_space<vmem>>, vector<1x1024xf32>
    %mul3A = arith.constant 2.44140625E-4 : f32
    %mul3A_2 = vector.broadcast %mul3A : f32 to vector<1x1024xf32>
    %mul3A_3 = arith.mulf %get3A_1, %mul3A_2 : vector<1x1024xf32>
    %get3A_4 = arith.constant 0 : index
    %get3A_5 = arith.constant 0 : index
    %get3A_6 = vector.load %arg1[%get3A_4, %get3A_5] : memref<1024x512xf32, #tpu.memory_space<vmem>>, vector<1024x512xf32>
    %dot_general3A = arith.constant dense<0.000000e+00> : vector<1x512xf32>
    %dot_general3A_7 = tpu.matmul %mul3A_3, %get3A_6, %dot_general3A {dimension_numbers = #tpu.dot_dimension_numbers<[1], [0], [0], [1], [0, 0, 1, 1], [], []>, transpose_lhs_hint = false} : vector<1x1024xf32>, vector<1024x512xf32>, vector<1x512xf32> -> vector<1x512xf32>
    %iota3A = tpu.iota {dimensions = array<i32: 0>} : vector<128x1xi32>
    %eq3A = arith.constant 0 : i32
    %eq3A_8 = vector.broadcast %eq3A : i32 to vector<128x1xi32>
    %eq3A_9 = arith.cmpi eq, %iota3A, %eq3A_8 : vector<128x1xi32>
    %get3A_10 = arith.constant 0 : index
    %get3A_11 = arith.constant 0 : index
    %get3A_12 = vector.load %arg2[%get3A_10, %get3A_11] : memref<128x512xf32, #tpu.memory_space<vmem>>, vector<128x512xf32>
    %broadcast_in_dim3A = vector.shape_cast %eq3A_9 : vector<128x1xi1> to vector<128x1xi1>
    %broadcast_in_dim3A_13 = vector.broadcast %broadcast_in_dim3A : vector<128x1xi1> to vector<128x512xi1>
    %broadcast_in_dim3A_14 = vector.shape_cast %dot_general3A_7 : vector<1x512xf32> to vector<1x512xf32>
    %broadcast_in_dim3A_15 = vector.broadcast %broadcast_in_dim3A_14 : vector<1x512xf32> to vector<128x512xf32>
    %select_n3A = arith.select %broadcast_in_dim3A_13, %broadcast_in_dim3A_15, %get3A_12 : vector<128x512xi1>, vector<128x512xf32>
    %get3A_16 = arith.constant 0 : index
    %get3A_17 = arith.constant 0 : index
    %get3A_18 = vector.load %arg3[%get3A_16, %get3A_17] : memref<512x1024xf32, #tpu.memory_space<vmem>>, vector<512x1024xf32>
    %dot_general3A_19 = arith.constant dense<0.000000e+00> : vector<128x1024xf32>
    %dot_general3A_20 = tpu.matmul %select_n3A, %get3A_18, %dot_general3A_19 {dimension_numbers = #tpu.dot_dimension_numbers<[1], [0], [0], [1], [0, 0, 1, 1], [], []>, transpose_lhs_hint = false} : vector<128x512xf32>, vector<512x1024xf32>, vector<128x1024xf32> -> vector<128x1024xf32>
    %swap3A = arith.constant 0 : index
    %swap3A_21 = arith.constant 0 : index
    %swap3A_22 = arith.constant 0 : index
    %swap3A_23 = vector.load %arg4[%swap3A, %swap3A_21, %swap3A_22] : memref<2x128x1024xf32, #tpu.memory_space<vmem>>, vector<1x128x1024xf32>
    %swap3A_24 = vector.shape_cast %swap3A_23 : vector<1x128x1024xf32> to vector<128x1024xf32>
    %swap3A_25 = vector.shape_cast %dot_general3A_20 : vector<128x1024xf32> to vector<1x128x1024xf32>
    tpu.vector_store %arg4[%swap3A, %swap3A_21, %swap3A_22], %swap3A_25 {strides = array<i32>} : memref<2x128x1024xf32, #tpu.memory_space<vmem>>, vector<1x128x1024xf32>,
    %swap3A_26 = arith.constant 1 : index
    %swap3A_27 = arith.constant 0 : index
    %swap3A_28 = arith.constant 0 : index
    %swap3A_29 = vector.load %arg4[%swap3A_26, %swap3A_27, %swap3A_28] : memref<2x128x1024xf32, #tpu.memory_space<vmem>>, vector<1x128x1024xf32>
    %swap3A_30 = vector.shape_cast %swap3A_29 : vector<1x128x1024xf32> to vector<128x1024xf32>
    %swap3A_31 = vector.shape_cast %dot_general3A_20 : vector<128x1024xf32> to vector<1x128x1024xf32>
    tpu.vector_store %arg4[%swap3A_26, %swap3A_27, %swap3A_28], %swap3A_31 {strides = array<i32>} : memref<2x128x1024xf32, #tpu.memory_space<vmem>>, vector<1x128x1024xf32>,
    return
  }
}

module attributes {stable_mosaic.version = 14 : i64} {
  func.func @_reduce_body(%arg0: i32, %arg1: memref<512x1024xf32, #tpu.memory_space<vmem>>, %arg2: memref<1x1024xf32, #tpu.memory_space<vmem>>) attributes {dimension_semantics = [#tpu.dimension_semantics<arbitrary>], iteration_bounds = array<i64: 8>, scalar_prefetch = 0 : i64, scratch_operands = 0 : i64, tpu.core_type = #tpu.core_type<tc>, window_params = [{transform_indices = @transform_0, window_bounds = array<i64: 512, 1024>}, {pipeline_mode = #tpu.pipeline_mode<synchronous>, transform_indices = @transform_1, window_bounds = array<i64: 1, 1024>}]} {
    %eq3A = arith.constant 0 : i32
    %eq3A_0 = arith.cmpi eq, %arg0, %eq3A : i32
    %convert_element_type3A = arith.extui %eq3A_0 : i1 to i32
    %cond3A = arith.constant 0 : i32
    %cond3A_1 = arith.cmpi ne, %convert_element_type3A, %cond3A : i32
    scf.if %cond3A_1 {
      %broadcast_in_dim3A_10 = arith.constant 0.000000e+00 : f32
      %broadcast_in_dim3A_11 = vector.broadcast %broadcast_in_dim3A_10 : f32 to vector<1x1024xf32>
      %swap3A_12 = arith.constant 0 : index
      %swap3A_13 = arith.constant 0 : index
      %swap3A_14 = vector.load %arg2[%swap3A_12, %swap3A_13] : memref<1x1024xf32, #tpu.memory_space<vmem>>, vector<1x1024xf32>
      tpu.vector_store %arg2[%swap3A_12, %swap3A_13], %broadcast_in_dim3A_11 {strides = array<i32>} : memref<1x1024xf32, #tpu.memory_space<vmem>>, vector<1x1024xf32>,
    } else {
    }
    %get3A = arith.constant 0 : index
    %get3A_2 = arith.constant 0 : index
    %get3A_3 = vector.load %arg2[%get3A, %get3A_2] : memref<1x1024xf32, #tpu.memory_space<vmem>>, vector<1x1024xf32>
    %get3A_4 = arith.constant 0 : index
    %get3A_5 = arith.constant 0 : index
    %get3A_6 = vector.load %arg1[%get3A_4, %get3A_5] : memref<512x1024xf32, #tpu.memory_space<vmem>>, vector<512x1024xf32>
    %reduce_sum3A = arith.constant dense<0.000000e+00> : vector<1024xf32>
    %reduce_sum3A_7 = vector.multi_reduction <add>, %get3A_6, %reduce_sum3A [0] : vector<512x1024xf32> to vector<1024xf32>
    %broadcast_in_dim3A = vector.shape_cast %reduce_sum3A_7 : vector<1024xf32> to vector<1x1024xf32>
    %add3A = arith.addf %get3A_3, %broadcast_in_dim3A : vector<1x1024xf32>
    %swap3A = arith.constant 0 : index
    %swap3A_8 = arith.constant 0 : index
    %swap3A_9 = vector.load %arg2[%swap3A, %swap3A_8] : memref<1x1024xf32, #tpu.memory_space<vmem>>, vector<1x1024xf32>
    tpu.vector_store %arg2[%swap3A, %swap3A_8], %add3A {strides = array<i32>} : memref<1x1024xf32, #tpu.memory_space<vmem>>, vector<1x1024xf32>,
    return
  }
  func.func @transform_0(%arg0: i32) -> (i32, i32) {
    %c0_i32 = arith.constant 0 : i32
    %c0_i32_0 = arith.constant 0 : i32
    return %arg0, %c0_i32 : i32, i32
  }
  func.func @transform_1(%arg0: i32) -> (i32, i32) {
    %c0_i32 = arith.constant 0 : i32
    %c0_i32_0 = arith.constant 0 : i32
    %c0_i32_1 = arith.constant 0 : i32
    return %c0_i32, %c0_i32_0 : i32, i32
  }
}

</mosaic_0001>

<sc_bundles>
// kernel: kernel.6.cloned.1.call-start
scs
__scs_entry_jumppad:
0x0: {  	(pc) =	sbr.rel $0x88, $3  }
0x1: {  	(tag) =	ssettag $0x0;
	lr =	simm.s32 $0x1  }
0x2: {  	[smem:$0x3F9B] =	sst lr;
	_ =	strace $0xD0000000  }
0x3: {  	_ = 	snop  }
0x4: {  	_ = 	snop  }
0x5: {  	_ = 	snop  }
0x6: {  	_ = 	snop  }
0x7: {  	_ = 	snop  }
__scs_overlays_trampoline_lowered:
0x8: {  	[smem:$0x3FAA] =	sst s0  }
0x9: {  	[smem:$0x3FAB] =	sst s1  }
0xa: {  	[smem:$0x3FAC] =	sst s2  }
0xb: {  	[smem:$0x3FAD] =	sst s3  }
0xc: {  	[smem:$0x3FAE] =	sst s4  }
0xd: {  	[smem:$0x3FAF] =	sst s5  }
0xe: {  	[smem:$0x3FB0] =	sst s6  }
0xf: {  	[smem:$0x3FB1] =	sst s7  }
0x10: {  	[smem:$0x3FB2] =	sst s8  }
0x11: {  	[smem:$0x3FB3] =	sst s9;
	s0 =	simm.s32 @!p0 $0x0  }
0x12: {  	s1 =	sld [smem:$0x3F99];
	s0 =	simm.s32 @p0 $0x1  }
0x13: {  	[smem:$0x3FB4] =	sst s0;
	s0 =	simm.s32 @!p1 $0x0  }
0x14: {  	s2 =	sld [smem:$0x3F98];
	s0 =	simm.s32 @p1 $0x1  }
0x15: {  	[smem:$0x3FB5] =	sst s0;
	s0 =	simm.s32 @!p2 $0x0  }
0x16: {  	s3 =	sld [smem:$0x3FDB];
	s0 =	simm.s32 @p2 $0x1  }
0x17: {  	s4 =	simm.s32 $0x1BF5;
	[smem:$0x3FB7] =	sst s0  }
0x18: {  	s0 =	sld [smem:$0x3F9A];
	_ =	swait.ge [sflag:s4], $0x0  }
0x19: {  	s7 =	sld [smem:$0x3F9B]  }
0x1a: {  	s8 =	sadd.s32 $0xFFFFE003, lr  }
0x1b: {  	s9 =	sadd.s32 $0xFFFFFEF7, lr;
	s5 =	simm.s32 $0xFFFFFFFF;
	p2 =	slt.u32 s8, $0xFFFFF086  }
0x1c: {  	p1 =	slt.u32 s9, $0xF7A;
	s5 =	simm.s32 @!p2 $0x0  }
0x1d: {  	s5 =	simm.s32 @p1 $0x1;
	p0 =	seq.s32 s7, s2  }
0x1e: {  	s7 =	smul.u32 @!p0 $0xF7A, s2;
	p2 =	seq.s32 @!p0 s5, $0x0  }
0x1f: {  	s9 =	smul.u32 $0xF7A, s1;
	s8 =	simm.s32 @!p0 $0x1BF5;
	p2 =	por !p2, p0  }
0x20: {  	[sflag:s8] =	ssyncset.s32 @!p0 $0xFFFFF086;
	s6 =	sadd.s32 @!p0 s3, s7;
	s7 =	simm.s32 @!p0 $0x108  }
0x21: {  	s3 =	sadd.s32 s3, s9;
	s6 =	sadd.s32 @!p0 $0x88, s6;
	s7 =	simm.s32 @p2 $0x1082  }
0x22: {  	[simem:s7], [sflag:s8] =	dma.local @!p0 [hbm:s6], $0xF7A  }
0x23: {  	s9 =	sor.u32 $0xD0000000, s2;
	s6 =	simm.s32 $0x108;
	_ =	swait.ge @!p0 [sflag:s8], $0x0  }
0x24: {  	s3 =	sadd.s32 $0x88, s3;
	s6 =	simm.s32 @!p1 $0x1082;
	[sflag:s4] =	ssyncset.s32 $0xFFFFF086  }
0x25: {  	[simem:s6], [sflag:s4] =	dma.local [hbm:s3], $0xF7A  }
0x26: {  	[smem:$0x3F9B] =	sst s1;
	(tag) =	ssettag s2;
	_ =	strace s9  }
0x27: {  	s1 =	sld [smem:$0x3FAB]  }
0x28: {  	s2 =	sld [smem:$0x3FAC]  }
0x29: {  	s4 =	sld [smem:$0x3FAE]  }
0x2a: {  	p0 =	seq.s32 s5, $0x0;
	s5 =	sld [smem:$0x3FAF]  }
0x2b: {  	s6 =	sld [smem:$0x3FB0]  }
0x2c: {  	s7 =	sld [smem:$0x3FB1]  }
0x2d: {  	s3 =	simm.s32 $0x108;
	s8 =	sld [smem:$0x3FB2]  }
0x2e: {  	s3 =	simm.s32 @!p0 $0x1082;
	s9 =	sld [smem:$0x3FB3]  }
0x2f: {  	lr =	sadd.s32 s0, s3;
	s0 =	sld [smem:$0x3FAA]  }
0x30: {  	s3 =	sld [smem:$0x3FAD]  }
0x31: {  	[smem:$0x3FB6] =	sst s10  }
0x32: {  	s10 =	sld [smem:$0x3FB4];
	_ =	sdelay $0x3  }
0x33: {  	p0 =	seq.s32 s10, $0x1;
	s10 =	sld [smem:$0x3FB6];
	_ =	sdelay $0x3  }
0x34: {  	[smem:$0x3FB6] =	sst s10  }
0x35: {  	s10 =	sld [smem:$0x3FB5];
	_ =	sdelay $0x3  }
0x36: {  	p1 =	seq.s32 s10, $0x1;
	s10 =	sld [smem:$0x3FB6];
	_ =	sdelay $0x3  }
0x37: {  	[smem:$0x3FB6] =	sst s10  }
0x38: {  	s10 =	sld [smem:$0x3FB7]  }
0x39: {  	_ = 	snop;
	(pc) =	sbr.ind lr, $3  }
0x3a: {  	_ = 	snop  }
0x3b: {  	_ = 	snop  }
0x3c: {  	p2 =	seq.s32 s10, $0x1;
	s10 =	sld [smem:$0x3FB6]  }
0x3d: {  	_ =	shalt  }
0x3e: {  	_ =	shalt  }
0x3f: {  	_ =	shalt  }
0x40: {  	_ =	shalt  }
0x41: {  	_ =	shalt  }
0x42: {  	_ =	shalt  }
0x43: {  	_ =	shalt  }
0x44: {  	_ =	shalt  }
0x45: {  	_ =	shalt  }
0x46: {  	_ =	shalt  }
0x47: {  	_ =	shalt  }
0x48: {  	_ =	shalt  }
0x49: {  	_ =	shalt  }
0x4a: {  	_ =	shalt  }
0x4b: {  	_ =	shalt  }
0x4c: {  	_ =	shalt  }
0x4d: {  	_ =	shalt  }
0x4e: {  	_ =	shalt  }
0x4f: {  	_ =	shalt  }
0x50: {  	_ =	shalt  }
0x51: {  	_ =	shalt  }
0x52: {  	_ =	shalt  }
0x53: {  	_ =	shalt  }
0x54: {  	_ =	shalt  }
0x55: {  	_ =	shalt  }
0x56: {  	_ =	shalt  }
0x57: {  	_ =	shalt  }
0x58: {  	_ =	shalt  }
0x59: {  	_ =	shalt  }
0x5a: {  	_ =	shalt  }
0x5b: {  	_ =	shalt  }
0x5c: {  	_ =	shalt  }
0x5d: {  	_ =	shalt  }
0x5e: {  	_ =	shalt  }
0x5f: {  	_ =	shalt  }
0x60: {  	_ =	shalt  }
0x61: {  	_ =	shalt  }
0x62: {  	_ =	shalt  }
0x63: {  	_ =	shalt  }
0x64: {  	_ =	shalt  }
0x65: {  	_ =	shalt  }
0x66: {  	_ =	shalt  }
0x67: {  	_ =	shalt  }
0x68: {  	_ =	shalt  }
0x69: {  	_ =	shalt  }
0x6a: {  	_ =	shalt  }
0x6b: {  	_ =	shalt  }
0x6c: {  	_ =	shalt  }
0x6d: {  	_ =	shalt  }
0x6e: {  	_ =	shalt  }
0x6f: {  	_ =	shalt  }
0x70: {  	_ =	shalt  }
0x71: {  	_ =	shalt  }
0x72: {  	_ =	shalt  }
0x73: {  	_ =	shalt  }
0x74: {  	_ =	shalt  }
0x75: {  	_ =	shalt  }
0x76: {  	_ =	shalt  }
0x77: {  	_ =	shalt  }
0x78: {  	_ =	shalt  }
0x79: {  	_ =	shalt  }
0x7a: {  	_ =	shalt  }
0x7b: {  	_ =	shalt  }
0x7c: {  	_ =	shalt  }
0x7d: {  	_ =	shalt  }
0x7e: {  	_ =	shalt  }
0x7f: {  	_ =	shalt  }
0x80: {  	_ =	shalt  }
0x81: {  	_ =	shalt  }
0x82: {  	_ =	shalt  }
0x83: {  	_ =	shalt  }
0x84: {  	_ =	shalt  }
0x85: {  	_ =	shalt  }
0x86: {  	_ =	shalt  }
0x87: {  	_ =	shalt  }
.Lfunc_end0:
.L_simem_size_0:
called_computation_lowered:
.L_overlay_start_0:
0x88: {  	s2 =	sld [smem:$0x3FD9]  }
0x89: {  	s3 =	sld [smem:$0x3FFE];
	_ =	sdelay $0x1  }
0x8a: {  	s1 =	srdreg.scid  }
0x8b: {  	s0 =	sand.u32 $0x1, s1  }
0x8c: {  	s17 =	sshll.u32 s0, $0xA;
	s2 =	sadd.s32 s3, s2  }
0x8d: {  	s2 =	sadd.s32 s2, s17  }
0x8e: {  	[smem:$0x3FC2] =	sst s2  }
0x8f: {  	_ = 	snop  }
0x90: {  	s2 =	sld [smem:$0x3FC8]  }
0x91: {  	s18 =	sld [smem:$0x3FD0];
	(tm) =	ssettm $0x1  }
0x92: {  	s4 =	sld [smem:$0x3FFB];
	_ =	sdelay $0x3  }
0x93: {  	_ =	strace s4  }
0x94: {  	s4 =	sld [smem:$0x3FFC];
	_ =	sdelay $0x3  }
0x95: {  	_ =	strace s4  }
0x96: {  	s4 =	sld [smem:$0x3FFD];
	_ =	sdelay $0x3  }
0x97: {  	_ =	strace s4  }
0x98: {  	_ =	strace $0x8FFFFFFF  }
0x99: {  	s19 =	sld [smem:$0x3FDB];
	_ =	sdelay $0x1  }
0x9a: {  	s5 =	simm.s32 $_scs_section_size  }
0x9b: {  	s6 =	simm.s32 $_size__tile_overlayer_lowered;
	s7 =	simm.s32 $_tile_overlayer_lowered  }
0x9c: {  	s22 =	simm.s32 $0x1BFF;
	s21 =	sshll.u32 s7, $0x1;
	s4 =	sadd.s32 s5, s19  }
0x9d: {  	s8 =	simm.s32 $0x0;
	s20 =	sshll.u32 s6, $0x1;
	s6 =	sadd.s32 s21, s4  }
0x9e: {  	[timem:s8], [sflag:s22] =	dma.local [hbm:s6], s20  }
0x9f: {  	_ =	swait.ge [sflag:s22], s20  }
0xa0: {  	s5 =	ssub.s32 $0x0, s20;
	[sflag:s22] =	ssyncset.done $0x0  }
0xa1: {  	[sflag:s22] =	ssyncadd.s32 s5;
	_ =	sdelay $0x1  }
0xa2: {  	s23 =	simm.s32 $0x1B8B  }
0xa3: {  	_ =	swait.ge [sflag:s23], $0x1  }
0xa4: {  	[sflag:s23] =	ssyncset.done $0x0  }
0xa5: {  	s25 =	simm.s32 $0x1B8E;
	s24 =	sld [smem:$0x3FFE];
	[sflag:s23] =	ssyncadd.s32 $0xFFFFFFFF  }
0xa6: {  	s26 =	simm.s32 $execute0_lowered;
	[smem:$0x3FD2] =	sst s25  }
0xa7: {  	s6 =	sshll.u32 s26, $0x1;
	_ =	strace $0x80000046;
	[dreg:$0x1] =	wrdreg $0xFFFFFFFF  }
0xa8: {  	s28 =	simm.s32 $_size_execute0_lowered;
	s4 =	sadd.s32 s4, s6;
	[dreg:$0x0] =	wrdreg $0x0  }
0xa9: {  	s6 =	sshll.u32 s28, $0x1;
	[dreg:$0x2] =	wrdreg s4  }
0xaa: {  	[dreg:$0x3] =	wrdreg s6  }
0xab: {  	[dreg:$0x4] =	wrdreg $0xC0  }
0xac: {  	_ =	task [dreg:s8], $0x5FFFF  }
0xad: {  	[dreg:$0x1] =	wrdreg $0xFFFFFFFF  }
0xae: {  	[dreg:$0x0] =	wrdreg $0x60  }
0xaf: {  	[dreg:$0x2] =	wrdreg s2  }
0xb0: {  	[dreg:$0x3] =	wrdreg s24  }
0xb1: {  	[dreg:$0x4] =	wrdreg s18  }
0xb2: {  	[dreg:$0x5] =	wrdreg $0x9  }
0xb3: {  	_ =	task.clear_ibuf [dreg:s8], $0x6FFFF;
	_ =	strace $0x90000046  }
0xb4: {  	s29 =	simm.s32 $0x9;
	_ =	strace $0x80000048  }
0xb5: {  	_ =	swait.ge [sflag:s29], $0x1  }
0xb6: {  	[sflag:s29] =	ssyncadd.s32 $0xFFFFFFFF  }
0xb7: {  	_ =	strace $0x90000048  }
0xb8: {  	_ =	sfence  }
0xb9: {  	s30 =	sld [smem:$0x0];
	_ =	sdelay $0x2  }
0xba: {  	s31 =	sshll.u32 s1, $0xD;
	s1 =	sshrl.u32 s1, $0x2  }
0xbb: {  	s3 =	sand.u32 $0x4000, s31;
	s1 =	sadd.s32 s1, s30  }
0xbc: {  	s0 =	sor.u32 s3, s0;
	s1 =	sshll.u32 s1, $0x11  }
0xbd: {  	s0 =	sor.u32 s1, s0  }
0xbe: {  	s0 =	sadd.s32 $0x8F2B, s0  }
0xbf: {  	[sflag:s0] =	ssyncadd.remote.s32 $0x1  }
0xc0: {  	_ =	sfence.sel $0xFFFF  }
0xc1: {  	[dreg:$0x0] =	wrdreg $0xFFFFFFFF;
	(pc) =	sbr.abs _section_cstart, $3  }
0xc2: {  	[dreg:$0x1] =	wrdreg $0xFFFFFFFF  }
0xc3: {  	_ =	task.clear_ibuf [dreg:s8], $0x2FFFF;
	_ =	strace $0x9FFFFFFF  }
0xc4: {  	(tm) =	ssettm $0x7FFFFFFF  }
0xc5: {  	_ =	shalt  }
tec
execute0_lowered:
.L_overlay_start_1:
0x0: {  	(tag) =	ssettag $0x1  }
0x1: {  	s1 =	stileid.u32  }
0x2: {  	p0 =	sgt.u32 s1, $0x7  }
.Ltmp0:
0x3: {  	s2 =	rddreg [dreg:$0x0];
	(pc) =	sbr.rel @p0 .LBB2_4-.Ltmp0, $4  }
0x4: {  	s4 =	rddreg [dreg:$0x1]  }
0x5: {  	s10 =	rddreg [dreg:$0x2];
	s3 =	simm.s32 $0x0  }
0x6: {  	[smem:$0x7FF] =	sst s3  }
0x7: {  	s0 =	rddreg [dreg:$0x3];
	_ =	strace $0x80000047  }
0x8: {  	s5 =	srdreg.scid  }
0x9: {  	s30 =	sshll.u32 s1, $0x1;
	s8 =	sand.u32 $0x1, s5  }
0xa: {  	s4 =	sadd.s32 $0x1000, s4;
	s11 =	sor.u32 s8, s30  }
0xb: {  	s5 =	sadd.s32 s4, s11;
	s4 =	simm.s32 $0x2  }
0xc: {  	[tilespmem:s3], [sflag:$0x2] =	stream.linear.gather [hbm4b:s5+s3], $0x8, $0x38;
	[tilespmem:$0x1080] =	vst v63  }
0xd: {  	_ =	swait.ge [sflag:s4], $0x8  }
0xe: {  	[sflag:s4] =	ssyncset.done $0x0  }
0xf: {  	[sflag:s4] =	ssyncadd.s32 $0xFFFFFFF8  }
0x10: {  	v0 =	vld.msk [tilespmem:$0x0], $0xff;
	_ =	sdelay $0x4  }
0x11: {  	v1 =	vshll.u32 v0, $0x2  }
0x12: {  	v2 =	vlaneseq.u32;
	v3 =	vand.u32 $0x7, v0;
	v1 =	vand.u32 $0xFFFFFFE0, v1  }
0x13: {  	v0 =	vand.u32 $0x7, v2;
	v2 =	vshrl.u32 v2, $0x3;
	v3 =	vor.u32 v3, v1  }
0x14: {  	v1 =	vmul.u32 $0x8, v2;
	v2 =	vperm.xlane v3, v0;
	_ =	sdelay $0x1  }
0x15: {  	v2 =	vadd.s32 v1, v2;
	_ =	sdelay $0x1  }
0x16: {  	s12 =	ssub.s32 $0x2, s8  }
0x17: {  	s13 =	sshrl.u32 s12, $0x1  }
0x18: {  	s6 =	sadd.s32 $0x100, s2;
	vm0 =	vmmov $0xffff;
	s7 =	simm.s32 $0x80;
	s12 =	ssub.s32 s12, s13  }
0x19: {  	[tilespmem:s7], [sflag:$0x1] =	stream.indirect_vreg.gather [hbm4b:s2+s3], $0x80, v2, vm0, $0xb8;
	[tilespmem:$0x1080] =	vst v63  }
0x1a: {  	s9 =	simm.s32 $0x1;
	s8 =	simm.s32 $0x880;
	s31 =	smax.u32 s12, $0x1  }
0x1b: {  	[tilespmem:s8], [sflag:$0x1] =	stream.indirect_vreg.gather [hbm4b:s6+s3], $0x80, v2, vm0, $0xb8;
	[tilespmem:$0x1080] =	vst v63  }
0x1c: {  	p0 =	sne.s32 s31, $0x1;
	_ =	swait.ge [sflag:s9], $0x1000  }
.Ltmp1:
0x1d: {  	s11 =	sshll.u32 s11, $0x9;
	[sflag:s9] =	ssyncset.done $0x0;
	(pc) =	sbr.rel @!p0 .LBB2_3-.Ltmp1, $4  }
0x1e: {  	s10 =	sadd.s32 s10, s11;
	[sflag:s9] =	ssyncadd.s32 $0xFFFFF000  }
0x1f: {  	[hbm4b:s10+s3] =	stream.linear.scatter [tilespmem:s7], [sflag:$0x2], $0x1000, $0x38;
	[tilespmem:$0x1080] =	vst v63  }
0x20: {  	_ =	swait.ge [sflag:s4], $0x1000  }
0x21: {  	s11 =	sadd.s32 $0xFFFFFFFF, s31;
	[sflag:s4] =	ssyncset.done $0x0  }
.LBB2_2:
0x22: {  	p0 =	sne.s32 s11, $0x1;
	s11 =	sadd.s32 $0xFFFFFFFF, s11;
	[sflag:s4] =	ssyncadd.s32 $0xFFFFF000  }
0x23: {  	[tilespmem:s3], [sflag:$0x2] =	stream.linear.gather [hbm4b:s5+s3], $0x8, $0x38;
	[tilespmem:$0x1080] =	vst v63  }
0x24: {  	_ =	swait.ge [sflag:s4], $0x8  }
0x25: {  	[sflag:s4] =	ssyncset.done $0x0  }
0x26: {  	[sflag:s4] =	ssyncadd.s32 $0xFFFFFFF8  }
0x27: {  	v2 =	vld.msk [tilespmem:$0x0], $0xff;
	_ =	sdelay $0x4  }
0x28: {  	v3 =	vshll.u32 v2, $0x2  }
0x29: {  	v2 =	vand.u32 $0x7, v2;
	v3 =	vand.u32 $0xFFFFFFE0, v3  }
0x2a: {  	v2 =	vor.u32 v2, v3  }
0x2b: {  	v2 =	vperm.xlane v2, v0;
	_ =	sdelay $0x1  }
0x2c: {  	v2 =	vadd.s32 v1, v2;
	_ =	sdelay $0x4  }
0x2d: {  	[tilespmem:s7], [sflag:$0x1] =	stream.indirect_vreg.gather [hbm4b:s2+s3], $0x80, v2, vm0, $0xb8;
	[tilespmem:$0x1080] =	vst v63  }
0x2e: {  	_ = 	snop  }
0x2f: {  	[tilespmem:s8], [sflag:$0x1] =	stream.indirect_vreg.gather [hbm4b:s6+s3], $0x80, v2, vm0, $0xb8;
	[tilespmem:$0x1080] =	vst v63  }
0x30: {  	_ =	swait.ge [sflag:s9], $0x1000  }
.Ltmp2:
0x31: {  	[sflag:s9] =	ssyncset.done $0x0;
	(pc) =	sbr.rel @p0 .LBB2_2-.Ltmp2, $4  }
0x32: {  	[sflag:s9] =	ssyncadd.s32 $0xFFFFF000  }
0x33: {  	[hbm4b:s10+s3] =	stream.linear.scatter [tilespmem:s7], [sflag:$0x2], $0x1000, $0x38;
	[tilespmem:$0x1080] =	vst v63  }
0x34: {  	_ =	swait.ge [sflag:s4], $0x1000  }
0x35: {  	[sflag:s4] =	ssyncset.done $0x0  }
.LBB2_3:
0x36: {  	[sflag:s4] =	ssyncadd.s32 $0xFFFFF000  }
.LBB2_4:
0x37: {  	_ =	sfence.sel $0x180000  }
0x38: {  	[bflag:$0x0] =	sbarrier.arrive $0xFFFF  }
0x39: {  	p0 =	sne.s32 s1, $0x0;
	_ =	strace $0x90000047  }
0x3a: {  	s0 =	sadd.s32 @!p0 $0x100000, s0;
	[bflag:$0x2] =	sbarrier.arrive $0xFFFF  }
0x3b: {  	[sflag:s0] =	ssyncadd.tile.s32 @!p0 $0x1;
	_ =	shalt  }
.Lfunc_end2:
_tile_overlayer_lowered:
.L_overlay_start_2:
0x3c: {  	(tag) =	ssettag $0x2  }
0x3d: {  	s0 =	rddreg [dreg:$0x0];
	s2 =	stileid.u32  }
0x3e: {  	s1 =	rddreg [dreg:$0x1];
	p0 =	sne.s32 s2, $0x0  }
0x3f: {  	s3 =	rddreg [dreg:$0x2];
	[bflag:$0x3] =	sbarrier.arrive $0xFFFF;
	s2 =	simm.s32 @!p0 $0x1C02  }
0x40: {  	[timem:s3], [sflag:s2] =	dma.local @!p0 [hbm:s0], s1  }
0x41: {  	s0 =	simm.s32 @!p0 $0x2  }
0x42: {  	_ =	swait.ge @!p0 [sflag:s0], s1  }
0x43: {  	s1 =	ssub.s32 @!p0 $0x0, s1;
	[sflag:s0] =	ssyncset.done @!p0 $0x0  }
0x44: {  	[sflag:s0] =	ssyncadd.s32 @!p0 s1  }
0x45: {  	[bflag:$0x3] =	sbarrier.arrive $0xFFFF  }
0x46: {  	_ =	shalt  }

</sc_bundles>
